<compile_context>
chip_gen: v7x
topology: tpu7x:2x2x1
jax: 0.10.2.dev20260603
libtpu: 0.0.44.dev20260713+nightly
codegen_flags: <defaults>
</compile_context>

<pallas_src>
import functools

import jax
import jax.numpy as jnp
from jax import lax
from jax.experimental import pallas as pl
from jax.experimental.pallas import tpu as pltpu
from jax.experimental.pallas import tpu_sc as plsc

D = 64
K = 1024
ROWS = 4
BLK = ROWS * 1024


def _vq_block(x_ref, w_ref, out_ref, idx_ref, loss_ref, w2_ref, wsq_ref, wsh_ref):
    i = pl.program_id(0)
    g = pl.num_programs(0)

    @pl.when(i == 0)
    def _prep():
        w = w_ref[...]
        w2_ref[...] = w + w
        ones_d = jnp.ones((1, D), dtype=jnp.float32)
        ones_k = jnp.ones((1, K), dtype=jnp.float32)
        wsq_ref[...] = jax.lax.dot_general(
            ones_d, w * w, (((1,), (1,)), ((), ())),
            preferred_element_type=jnp.float32)
        wsh_ref[...] = 0.5 * jax.lax.dot_general(
            ones_k, w, (((1,), (0,)), ((), ())),
            preferred_element_type=jnp.float32)

    xb = x_ref[...].reshape(BLK, D)
    w2 = w2_ref[...]
    v = jax.lax.dot_general(xb, w2, (((1,), (1,)), ((), ())),
                            preferred_element_type=jnp.float32) - wsq_ref[...]
    m = jnp.max(v, axis=1, keepdims=True)
    iota = lax.broadcasted_iota(jnp.int32, v.shape, 1)
    idx_ref[...] = jnp.min(jnp.where(v == m, iota, K), axis=1, keepdims=True)
    e = jnp.exp(v)
    ones_col = jnp.ones((K, 1), dtype=jnp.float32)
    se = jax.lax.dot_general(e, ones_col, (((1,), (0,)), ((), ())),
                             preferred_element_type=jnp.float32)
    lse = jnp.log(se)
    ow2 = jax.lax.dot_general(v, w2, (((1,), (0,)), ((), ())),
                              preferred_element_type=jnp.float32)
    corr = jax.lax.dot_general(lse, wsh_ref[...], (((1,), (0,)), ((), ())),
                               preferred_element_type=jnp.float32)
    out_ref[...] = (0.25 * ow2 - corr).reshape(out_ref.shape)
    t = jnp.sum(xb * xb, axis=1, keepdims=True) - m
    part = jnp.sum(t)
    acc = jnp.where(i == 0, 0.0, loss_ref[0]) + part
    loss_ref[0] = jnp.where(i == g - 1, acc * (1.25 / (g * BLK * D)), acc)


def _sc_gather(codebook, idx_flat):
    info = plsc.get_sparse_core_info()
    nw = info.num_cores * info.num_subcores
    b = idx_flat.shape[0]
    b_per_w = b // nw
    ch = 128
    mesh = plsc.VectorSubcoreMesh(core_axis_name="c", subcore_axis_name="s")

    dp = codebook.shape[1]

    @functools.partial(
        pl.kernel, mesh=mesh,
        out_type=jax.ShapeDtypeStruct((b, dp), jnp.float32),
        scratch_types=[pltpu.VMEM((ch,), jnp.int32),
                       pltpu.VMEM((ch, dp), jnp.float32),
                       pltpu.SemaphoreType.DMA],
    )
    def k(cb_hbm, idx_hbm, out_hbm, idx_v, rows_v, sem):
        wid = lax.axis_index("s") * info.num_cores + lax.axis_index("c")
        base = wid * b_per_w
        for j in range(b_per_w // ch):
            off = base + j * ch
            pltpu.sync_copy(idx_hbm.at[pl.ds(off, ch)], idx_v)
            pltpu.async_copy(cb_hbm.at[idx_v], rows_v, sem).wait()
            pltpu.sync_copy(rows_v, out_hbm.at[pl.ds(off, ch)])

    return k(codebook, idx_flat)


def kernel(x, codebook):
    b, s, _ = x.shape
    n = b * s
    out_w, idx, loss = pl.pallas_call(
        _vq_block,
        grid=(n // BLK,),
        in_specs=[pl.BlockSpec((ROWS, 1024, D), lambda i: (i, 0, 0)),
                  pl.BlockSpec((K, D), lambda i: (0, 0))],
        out_specs=[pl.BlockSpec((ROWS, 1024, D), lambda i: (i, 0, 0)),
                   pl.BlockSpec((BLK, 1), lambda i: (i, 0)),
                   pl.BlockSpec(memory_space=pltpu.SMEM)],
        out_shape=[jax.ShapeDtypeStruct((b, s, D), jnp.float32),
                   jax.ShapeDtypeStruct((n, 1), jnp.int32),
                   jax.ShapeDtypeStruct((1,), jnp.float32)],
        scratch_shapes=[pltpu.VMEM((K, D), jnp.float32),
                        pltpu.VMEM((1, K), jnp.float32),
                        pltpu.VMEM((1, D), jnp.float32)],
    )(x, codebook)
    cb_pad = jnp.pad(codebook, ((0, 0), (0, 128 - D)))
    quant = _sc_gather(cb_pad, idx.reshape(-1))
    out = out_w + 0.5 * quant[:, :D].reshape(x.shape)
    return out, loss[0]

# --- scband reference (transcript-rebuilt; emitter-appended) ---
"""Pipeline reference for scband-vq-layer-16518444220548 (READ-ONLY COPY).

The authoritative reference and input builder live on the scoring server;
editing this copy changes nothing except your own understanding.
"""

import jax, jax.numpy as jnp
import numpy as np

EMBEDDING_DIM = 64
NUM_EMBEDDINGS = 1024
COMMITMENT_COST = 0.25


def setup_inputs(seed: int = 0) -> dict:
    key = jax.random.key(seed)
    kx, kw = jax.random.split(key)
    x = jax.random.normal(kx, (16, 1024, EMBEDDING_DIM), dtype=jnp.float32)
    # nn.Embedding weight initialized uniform(-1/K, 1/K)
    codebook = jax.random.uniform(kw, (NUM_EMBEDDINGS, EMBEDDING_DIM), dtype=jnp.float32,
                                  minval=-1.0 / NUM_EMBEDDINGS, maxval=1.0 / NUM_EMBEDDINGS)
    return {"x": x, "codebook": codebook}


def reference(x, codebook):
    flat_x = x.reshape(-1, EMBEDDING_DIM)
    # squared euclidean distances: |x|^2 - 2 x.W^T + |W|^2
    distances = (jnp.sum(flat_x ** 2, axis=1, keepdims=True)
                 - 2.0 * jnp.matmul(flat_x, codebook.T)
                 + jnp.sum(codebook.T ** 2, axis=0, keepdims=True))
    encoding_indices = jnp.argmin(distances, axis=1)
    # one-hot @ codebook == gather of nearest codes
    quantized = jnp.take(codebook, encoding_indices, axis=0).reshape(x.shape)
    e_latent_loss = jnp.mean((jax.lax.stop_gradient(quantized) - x) ** 2)
    q_latent_loss = jnp.mean((quantized - jax.lax.stop_gradient(x)) ** 2)
    vq_loss = q_latent_loss + COMMITMENT_COST * e_latent_loss
    # quantized_output=False branch: similarity-weighted output (log_softmax weights, as in torch code)
    similarities = -distances
    weights = jax.nn.log_softmax(similarities, axis=1)
    weighted_output = jnp.matmul(weights, codebook).reshape(x.shape)
    output_vector = (weighted_output + quantized) / 2.0
    # straight-through estimator
    output_vector = x + jax.lax.stop_gradient(output_vector - x)
    return (output_vector, vq_loss)

if __name__ == "__main__":
    import jax
    _d = setup_inputs()
    print(jax.jit(kernel)(*tuple(_d.values())))

</pallas_src>

<mosaic_0001>
#map = affine_map<(d0, d1) -> (0, 0)>
#map1 = affine_map<(d0, d1) -> (0)>
module attributes {stable_mosaic.version = 14 : i64} {
  func.func @k(%arg0: i32, %arg1: i32, %arg2: memref<1024x128xf32, #tpu.memory_space<hbm>>, %arg3: memref<16384xi32, #tpu.memory_space<hbm>>, %arg4: memref<16384x128xf32, #tpu.memory_space<hbm>>, %arg5: memref<128xi32, #tpu.memory_space<vmem>>, %arg6: memref<128x128xf32, #tpu.memory_space<vmem>>, %arg7: memref<!tpu.dma_semaphore, #tpu.memory_space<semaphore_mem>>) attributes {dimension_semantics = [#tpu.dimension_semantics<core_parallel>, #tpu.dimension_semantics<subcore_parallel>], iteration_bounds = array<i64: 2, 16>, scalar_prefetch = 0 : i64, scratch_operands = 3 : i64, tpu.core_type = #tpu.core_type<sc_vector_subcore>, window_params = [{transform_indices = #map}, {transform_indices = #map1}, {transform_indices = #map}]} {
    %mul3A = arith.constant 2 : i32
    %mul3A_0 = arith.muli %arg1, %mul3A : i32
    %add3A = arith.addi %mul3A_0, %arg0 : i32
    %mul3A_1 = arith.constant 512 : i32
    %mul3A_2 = arith.muli %add3A, %mul3A_1 : i32
    %add3A_3 = arith.constant 0 : i32
    %add3A_4 = arith.addi %mul3A_2, %add3A_3 : i32
    "tpu.region"() ({
      %run_scoped3A = tpu.sem_alloc : memref<!tpu.dma_semaphore, #tpu.memory_space<semaphore_mem>>
      %dma_start3A_33 = tpu.memref_slice %arg3[%add3A_4] : memref<16384xi32, #tpu.memory_space<hbm>> -> memref<128xi32, #tpu.memory_space<hbm>>
      %dma_start3A_34 = tpu.memref_slice %arg3[%add3A_4] : memref<16384xi32, #tpu.memory_space<hbm>> -> memref<128xi32, #tpu.memory_space<hbm>>
      tpu.enqueue_dma source(%dma_start3A_34 : memref<128xi32, #tpu.memory_space<hbm>>) target(%arg5 : memref<128xi32, #tpu.memory_space<vmem>>) target_semaphore(%run_scoped3A : memref<!tpu.dma_semaphore, #tpu.memory_space<semaphore_mem>>)
      %dma_wait3A_35 = tpu.memref_slice %arg3[%add3A_4] : memref<16384xi32, #tpu.memory_space<hbm>> -> memref<128xi32, #tpu.memory_space<hbm>>
      %dma_wait3A_36 = tpu.memref_slice %arg3[%add3A_4] : memref<16384xi32, #tpu.memory_space<hbm>> -> memref<128xi32, #tpu.memory_space<hbm>>
      tpu.wait_dma2 semaphore(%run_scoped3A : memref<!tpu.dma_semaphore, #tpu.memory_space<semaphore_mem>>) src(%dma_wait3A_36 : memref<128xi32, #tpu.memory_space<hbm>>) dst(%arg5 : memref<128xi32, #tpu.memory_space<vmem>>)
      tpu.yield
    }) : () -> ()
    %dma_start3A = arith.constant 0 : i32
    %dma_start3A_5 = arith.constant 0 : i32
    %dma_start3A_6 = tpu.memref_slice %arg2[%dma_start3A, %dma_start3A_5] : memref<1024x128xf32, #tpu.memory_space<hbm>> -> memref<1024x128xf32, #tpu.memory_space<hbm>>
    tpu.enqueue_indirect_dma source(%dma_start3A_6 : memref<1024x128xf32, #tpu.memory_space<hbm>>) target(%arg6 : memref<128x128xf32, #tpu.memory_space<vmem>>) offsets(%arg5 : memref<128xi32, #tpu.memory_space<vmem>>) semaphore(%arg7 : memref<!tpu.dma_semaphore, #tpu.memory_space<semaphore_mem>>)
    %dma_wait3A = arith.constant 0 : i32
    %dma_wait3A_7 = arith.constant 0 : i32
    %dma_wait3A_8 = tpu.memref_slice %arg2[%dma_wait3A, %dma_wait3A_7] : memref<1024x128xf32, #tpu.memory_space<hbm>> -> memref<1024x128xf32, #tpu.memory_space<hbm>>
    tpu.wait_indirect_dma semaphore(%arg7 : memref<!tpu.dma_semaphore, #tpu.memory_space<semaphore_mem>>) src(%dma_wait3A_8 : memref<1024x128xf32, #tpu.memory_space<hbm>>) dst(%arg6 : memref<128x128xf32, #tpu.memory_space<vmem>>)
    "tpu.region"() ({
      %run_scoped3A = tpu.sem_alloc : memref<!tpu.dma_semaphore, #tpu.memory_space<semaphore_mem>>
      %dma_start3A_33 = arith.constant 0 : i32
      %dma_start3A_34 = tpu.memref_slice %arg4[%add3A_4, %dma_start3A_33] : memref<16384x128xf32, #tpu.memory_space<hbm>> -> memref<128x128xf32, #tpu.memory_space<hbm>>
      %dma_start3A_35 = arith.constant 0 : i32
      %dma_start3A_36 = tpu.memref_slice %arg4[%add3A_4, %dma_start3A_35] : memref<16384x128xf32, #tpu.memory_space<hbm>> -> memref<128x128xf32, #tpu.memory_space<hbm>>
      tpu.enqueue_dma source(%arg6 : memref<128x128xf32, #tpu.memory_space<vmem>>) target(%dma_start3A_36 : memref<128x128xf32, #tpu.memory_space<hbm>>) target_semaphore(%run_scoped3A : memref<!tpu.dma_semaphore, #tpu.memory_space<semaphore_mem>>)
      %dma_wait3A_37 = arith.constant 0 : i32
      %dma_wait3A_38 = tpu.memref_slice %arg4[%add3A_4, %dma_wait3A_37] : memref<16384x128xf32, #tpu.memory_space<hbm>> -> memref<128x128xf32, #tpu.memory_space<hbm>>
      %dma_wait3A_39 = arith.constant 0 : i32
      %dma_wait3A_40 = tpu.memref_slice %arg4[%add3A_4, %dma_wait3A_39] : memref<16384x128xf32, #tpu.memory_space<hbm>> -> memref<128x128xf32, #tpu.memory_space<hbm>>
      tpu.wait_dma2 semaphore(%run_scoped3A : memref<!tpu.dma_semaphore, #tpu.memory_space<semaphore_mem>>) src(%arg6 : memref<128x128xf32, #tpu.memory_space<vmem>>) dst(%dma_wait3A_40 : memref<128x128xf32, #tpu.memory_space<hbm>>)
      tpu.yield
    }) : () -> ()
    %add3A_9 = arith.constant 128 : i32
    %add3A_10 = arith.addi %mul3A_2, %add3A_9 : i32
    "tpu.region"() ({
      %run_scoped3A = tpu.sem_alloc : memref<!tpu.dma_semaphore, #tpu.memory_space<semaphore_mem>>
      %dma_start3A_33 = tpu.memref_slice %arg3[%add3A_10] : memref<16384xi32, #tpu.memory_space<hbm>> -> memref<128xi32, #tpu.memory_space<hbm>>
      %dma_start3A_34 = tpu.memref_slice %arg3[%add3A_10] : memref<16384xi32, #tpu.memory_space<hbm>> -> memref<128xi32, #tpu.memory_space<hbm>>
      tpu.enqueue_dma source(%dma_start3A_34 : memref<128xi32, #tpu.memory_space<hbm>>) target(%arg5 : memref<128xi32, #tpu.memory_space<vmem>>) target_semaphore(%run_scoped3A : memref<!tpu.dma_semaphore, #tpu.memory_space<semaphore_mem>>)
      %dma_wait3A_35 = tpu.memref_slice %arg3[%add3A_10] : memref<16384xi32, #tpu.memory_space<hbm>> -> memref<128xi32, #tpu.memory_space<hbm>>
      %dma_wait3A_36 = tpu.memref_slice %arg3[%add3A_10] : memref<16384xi32, #tpu.memory_space<hbm>> -> memref<128xi32, #tpu.memory_space<hbm>>
      tpu.wait_dma2 semaphore(%run_scoped3A : memref<!tpu.dma_semaphore, #tpu.memory_space<semaphore_mem>>) src(%dma_wait3A_36 : memref<128xi32, #tpu.memory_space<hbm>>) dst(%arg5 : memref<128xi32, #tpu.memory_space<vmem>>)
      tpu.yield
    }) : () -> ()
    %dma_start3A_11 = arith.constant 0 : i32
    %dma_start3A_12 = arith.constant 0 : i32
    %dma_start3A_13 = tpu.memref_slice %arg2[%dma_start3A_11, %dma_start3A_12] : memref<1024x128xf32, #tpu.memory_space<hbm>> -> memref<1024x128xf32, #tpu.memory_space<hbm>>
    tpu.enqueue_indirect_dma source(%dma_start3A_13 : memref<1024x128xf32, #tpu.memory_space<hbm>>) target(%arg6 : memref<128x128xf32, #tpu.memory_space<vmem>>) offsets(%arg5 : memref<128xi32, #tpu.memory_space<vmem>>) semaphore(%arg7 : memref<!tpu.dma_semaphore, #tpu.memory_space<semaphore_mem>>)
    %dma_wait3A_14 = arith.constant 0 : i32
    %dma_wait3A_15 = arith.constant 0 : i32
    %dma_wait3A_16 = tpu.memref_slice %arg2[%dma_wait3A_14, %dma_wait3A_15] : memref<1024x128xf32, #tpu.memory_space<hbm>> -> memref<1024x128xf32, #tpu.memory_space<hbm>>
    tpu.wait_indirect_dma semaphore(%arg7 : memref<!tpu.dma_semaphore, #tpu.memory_space<semaphore_mem>>) src(%dma_wait3A_16 : memref<1024x128xf32, #tpu.memory_space<hbm>>) dst(%arg6 : memref<128x128xf32, #tpu.memory_space<vmem>>)
    "tpu.region"() ({
      %run_scoped3A = tpu.sem_alloc : memref<!tpu.dma_semaphore, #tpu.memory_space<semaphore_mem>>
      %dma_start3A_33 = arith.constant 0 : i32
      %dma_start3A_34 = tpu.memref_slice %arg4[%add3A_10, %dma_start3A_33] : memref<16384x128xf32, #tpu.memory_space<hbm>> -> memref<128x128xf32, #tpu.memory_space<hbm>>
      %dma_start3A_35 = arith.constant 0 : i32
      %dma_start3A_36 = tpu.memref_slice %arg4[%add3A_10, %dma_start3A_35] : memref<16384x128xf32, #tpu.memory_space<hbm>> -> memref<128x128xf32, #tpu.memory_space<hbm>>
      tpu.enqueue_dma source(%arg6 : memref<128x128xf32, #tpu.memory_space<vmem>>) target(%dma_start3A_36 : memref<128x128xf32, #tpu.memory_space<hbm>>) target_semaphore(%run_scoped3A : memref<!tpu.dma_semaphore, #tpu.memory_space<semaphore_mem>>)
      %dma_wait3A_37 = arith.constant 0 : i32
      %dma_wait3A_38 = tpu.memref_slice %arg4[%add3A_10, %dma_wait3A_37] : memref<16384x128xf32, #tpu.memory_space<hbm>> -> memref<128x128xf32, #tpu.memory_space<hbm>>
      %dma_wait3A_39 = arith.constant 0 : i32
      %dma_wait3A_40 = tpu.memref_slice %arg4[%add3A_10, %dma_wait3A_39] : memref<16384x128xf32, #tpu.memory_space<hbm>> -> memref<128x128xf32, #tpu.memory_space<hbm>>
      tpu.wait_dma2 semaphore(%run_scoped3A : memref<!tpu.dma_semaphore, #tpu.memory_space<semaphore_mem>>) src(%arg6 : memref<128x128xf32, #tpu.memory_space<vmem>>) dst(%dma_wait3A_40 : memref<128x128xf32, #tpu.memory_space<hbm>>)
      tpu.yield
    }) : () -> ()
    %add3A_17 = arith.constant 256 : i32
    %add3A_18 = arith.addi %mul3A_2, %add3A_17 : i32
    "tpu.region"() ({
      %run_scoped3A = tpu.sem_alloc : memref<!tpu.dma_semaphore, #tpu.memory_space<semaphore_mem>>
      %dma_start3A_33 = tpu.memref_slice %arg3[%add3A_18] : memref<16384xi32, #tpu.memory_space<hbm>> -> memref<128xi32, #tpu.memory_space<hbm>>
      %dma_start3A_34 = tpu.memref_slice %arg3[%add3A_18] : memref<16384xi32, #tpu.memory_space<hbm>> -> memref<128xi32, #tpu.memory_space<hbm>>
      tpu.enqueue_dma source(%dma_start3A_34 : memref<128xi32, #tpu.memory_space<hbm>>) target(%arg5 : memref<128xi32, #tpu.memory_space<vmem>>) target_semaphore(%run_scoped3A : memref<!tpu.dma_semaphore, #tpu.memory_space<semaphore_mem>>)
      %dma_wait3A_35 = tpu.memref_slice %arg3[%add3A_18] : memref<16384xi32, #tpu.memory_space<hbm>> -> memref<128xi32, #tpu.memory_space<hbm>>
      %dma_wait3A_36 = tpu.memref_slice %arg3[%add3A_18] : memref<16384xi32, #tpu.memory_space<hbm>> -> memref<128xi32, #tpu.memory_space<hbm>>
      tpu.wait_dma2 semaphore(%run_scoped3A : memref<!tpu.dma_semaphore, #tpu.memory_space<semaphore_mem>>) src(%dma_wait3A_36 : memref<128xi32, #tpu.memory_space<hbm>>) dst(%arg5 : memref<128xi32, #tpu.memory_space<vmem>>)
      tpu.yield
    }) : () -> ()
    %dma_start3A_19 = arith.constant 0 : i32
    %dma_start3A_20 = arith.constant 0 : i32
    %dma_start3A_21 = tpu.memref_slice %arg2[%dma_start3A_19, %dma_start3A_20] : memref<1024x128xf32, #tpu.memory_space<hbm>> -> memref<1024x128xf32, #tpu.memory_space<hbm>>
    tpu.enqueue_indirect_dma source(%dma_start3A_21 : memref<1024x128xf32, #tpu.memory_space<hbm>>) target(%arg6 : memref<128x128xf32, #tpu.memory_space<vmem>>) offsets(%arg5 : memref<128xi32, #tpu.memory_space<vmem>>) semaphore(%arg7 : memref<!tpu.dma_semaphore, #tpu.memory_space<semaphore_mem>>)
    %dma_wait3A_22 = arith.constant 0 : i32
    %dma_wait3A_23 = arith.constant 0 : i32
    %dma_wait3A_24 = tpu.memref_slice %arg2[%dma_wait3A_22, %dma_wait3A_23] : memref<1024x128xf32, #tpu.memory_space<hbm>> -> memref<1024x128xf32, #tpu.memory_space<hbm>>
    tpu.wait_indirect_dma semaphore(%arg7 : memref<!tpu.dma_semaphore, #tpu.memory_space<semaphore_mem>>) src(%dma_wait3A_24 : memref<1024x128xf32, #tpu.memory_space<hbm>>) dst(%arg6 : memref<128x128xf32, #tpu.memory_space<vmem>>)
    "tpu.region"() ({
      %run_scoped3A = tpu.sem_alloc : memref<!tpu.dma_semaphore, #tpu.memory_space<semaphore_mem>>
      %dma_start3A_33 = arith.constant 0 : i32
      %dma_start3A_34 = tpu.memref_slice %arg4[%add3A_18, %dma_start3A_33] : memref<16384x128xf32, #tpu.memory_space<hbm>> -> memref<128x128xf32, #tpu.memory_space<hbm>>
      %dma_start3A_35 = arith.constant 0 : i32
      %dma_start3A_36 = tpu.memref_slice %arg4[%add3A_18, %dma_start3A_35] : memref<16384x128xf32, #tpu.memory_space<hbm>> -> memref<128x128xf32, #tpu.memory_space<hbm>>
      tpu.enqueue_dma source(%arg6 : memref<128x128xf32, #tpu.memory_space<vmem>>) target(%dma_start3A_36 : memref<128x128xf32, #tpu.memory_space<hbm>>) target_semaphore(%run_scoped3A : memref<!tpu.dma_semaphore, #tpu.memory_space<semaphore_mem>>)
      %dma_wait3A_37 = arith.constant 0 : i32
      %dma_wait3A_38 = tpu.memref_slice %arg4[%add3A_18, %dma_wait3A_37] : memref<16384x128xf32, #tpu.memory_space<hbm>> -> memref<128x128xf32, #tpu.memory_space<hbm>>
      %dma_wait3A_39 = arith.constant 0 : i32
      %dma_wait3A_40 = tpu.memref_slice %arg4[%add3A_18, %dma_wait3A_39] : memref<16384x128xf32, #tpu.memory_space<hbm>> -> memref<128x128xf32, #tpu.memory_space<hbm>>
      tpu.wait_dma2 semaphore(%run_scoped3A : memref<!tpu.dma_semaphore, #tpu.memory_space<semaphore_mem>>) src(%arg6 : memref<128x128xf32, #tpu.memory_space<vmem>>) dst(%dma_wait3A_40 : memref<128x128xf32, #tpu.memory_space<hbm>>)
      tpu.yield
    }) : () -> ()
    %add3A_25 = arith.constant 384 : i32
    %add3A_26 = arith.addi %mul3A_2, %add3A_25 : i32
    "tpu.region"() ({
      %run_scoped3A = tpu.sem_alloc : memref<!tpu.dma_semaphore, #tpu.memory_space<semaphore_mem>>
      %dma_start3A_33 = tpu.memref_slice %arg3[%add3A_26] : memref<16384xi32, #tpu.memory_space<hbm>> -> memref<128xi32, #tpu.memory_space<hbm>>
      %dma_start3A_34 = tpu.memref_slice %arg3[%add3A_26] : memref<16384xi32, #tpu.memory_space<hbm>> -> memref<128xi32, #tpu.memory_space<hbm>>
      tpu.enqueue_dma source(%dma_start3A_34 : memref<128xi32, #tpu.memory_space<hbm>>) target(%arg5 : memref<128xi32, #tpu.memory_space<vmem>>) target_semaphore(%run_scoped3A : memref<!tpu.dma_semaphore, #tpu.memory_space<semaphore_mem>>)
      %dma_wait3A_35 = tpu.memref_slice %arg3[%add3A_26] : memref<16384xi32, #tpu.memory_space<hbm>> -> memref<128xi32, #tpu.memory_space<hbm>>
      %dma_wait3A_36 = tpu.memref_slice %arg3[%add3A_26] : memref<16384xi32, #tpu.memory_space<hbm>> -> memref<128xi32, #tpu.memory_space<hbm>>
      tpu.wait_dma2 semaphore(%run_scoped3A : memref<!tpu.dma_semaphore, #tpu.memory_space<semaphore_mem>>) src(%dma_wait3A_36 : memref<128xi32, #tpu.memory_space<hbm>>) dst(%arg5 : memref<128xi32, #tpu.memory_space<vmem>>)
      tpu.yield
    }) : () -> ()
    %dma_start3A_27 = arith.constant 0 : i32
    %dma_start3A_28 = arith.constant 0 : i32
    %dma_start3A_29 = tpu.memref_slice %arg2[%dma_start3A_27, %dma_start3A_28] : memref<1024x128xf32, #tpu.memory_space<hbm>> -> memref<1024x128xf32, #tpu.memory_space<hbm>>
    tpu.enqueue_indirect_dma source(%dma_start3A_29 : memref<1024x128xf32, #tpu.memory_space<hbm>>) target(%arg6 : memref<128x128xf32, #tpu.memory_space<vmem>>) offsets(%arg5 : memref<128xi32, #tpu.memory_space<vmem>>) semaphore(%arg7 : memref<!tpu.dma_semaphore, #tpu.memory_space<semaphore_mem>>)
    %dma_wait3A_30 = arith.constant 0 : i32
    %dma_wait3A_31 = arith.constant 0 : i32
    %dma_wait3A_32 = tpu.memref_slice %arg2[%dma_wait3A_30, %dma_wait3A_31] : memref<1024x128xf32, #tpu.memory_space<hbm>> -> memref<1024x128xf32, #tpu.memory_space<hbm>>
    tpu.wait_indirect_dma semaphore(%arg7 : memref<!tpu.dma_semaphore, #tpu.memory_space<semaphore_mem>>) src(%dma_wait3A_32 : memref<1024x128xf32, #tpu.memory_space<hbm>>) dst(%arg6 : memref<128x128xf32, #tpu.memory_space<vmem>>)
    "tpu.region"() ({
      %run_scoped3A = tpu.sem_alloc : memref<!tpu.dma_semaphore, #tpu.memory_space<semaphore_mem>>
      %dma_start3A_33 = arith.constant 0 : i32
      %dma_start3A_34 = tpu.memref_slice %arg4[%add3A_26, %dma_start3A_33] : memref<16384x128xf32, #tpu.memory_space<hbm>> -> memref<128x128xf32, #tpu.memory_space<hbm>>
      %dma_start3A_35 = arith.constant 0 : i32
      %dma_start3A_36 = tpu.memref_slice %arg4[%add3A_26, %dma_start3A_35] : memref<16384x128xf32, #tpu.memory_space<hbm>> -> memref<128x128xf32, #tpu.memory_space<hbm>>
      tpu.enqueue_dma source(%arg6 : memref<128x128xf32, #tpu.memory_space<vmem>>) target(%dma_start3A_36 : memref<128x128xf32, #tpu.memory_space<hbm>>) target_semaphore(%run_scoped3A : memref<!tpu.dma_semaphore, #tpu.memory_space<semaphore_mem>>)
      %dma_wait3A_37 = arith.constant 0 : i32
      %dma_wait3A_38 = tpu.memref_slice %arg4[%add3A_26, %dma_wait3A_37] : memref<16384x128xf32, #tpu.memory_space<hbm>> -> memref<128x128xf32, #tpu.memory_space<hbm>>
      %dma_wait3A_39 = arith.constant 0 : i32
      %dma_wait3A_40 = tpu.memref_slice %arg4[%add3A_26, %dma_wait3A_39] : memref<16384x128xf32, #tpu.memory_space<hbm>> -> memref<128x128xf32, #tpu.memory_space<hbm>>
      tpu.wait_dma2 semaphore(%run_scoped3A : memref<!tpu.dma_semaphore, #tpu.memory_space<semaphore_mem>>) src(%arg6 : memref<128x128xf32, #tpu.memory_space<vmem>>) dst(%dma_wait3A_40 : memref<128x128xf32, #tpu.memory_space<hbm>>)
      tpu.yield
    }) : () -> ()
    return
  }
}

module attributes {stable_mosaic.version = 14 : i64} {
  func.func @_vq_block(%arg0: i32, %arg1: memref<4x1024x64xf32, #tpu.memory_space<vmem>>, %arg2: memref<1024x64xf32, #tpu.memory_space<vmem>>, %arg3: memref<4x1024x64xf32, #tpu.memory_space<vmem>>, %arg4: memref<4096x1xi32, #tpu.memory_space<vmem>>, %arg5: memref<1xf32, #tpu.memory_space<smem>>, %arg6: memref<1024x64xf32, #tpu.memory_space<vmem>>, %arg7: memref<1x1024xf32, #tpu.memory_space<vmem>>, %arg8: memref<1x64xf32, #tpu.memory_space<vmem>>) attributes {dimension_semantics = [#tpu.dimension_semantics<arbitrary>], iteration_bounds = array<i64: 4>, scalar_prefetch = 0 : i64, scratch_operands = 3 : i64, tpu.core_type = #tpu.core_type<tc>, window_params = [{transform_indices = @transform_0, window_bounds = array<i64: 4, 1024, 64>}, {pipeline_mode = #tpu.pipeline_mode<synchronous>, transform_indices = @transform_1, window_bounds = array<i64: 1024, 64>}, {transform_indices = @transform_2, window_bounds = array<i64: 4, 1024, 64>}, {transform_indices = @transform_3, window_bounds = array<i64: 4096, 1>}, {transform_indices = @transform_4, window_bounds = array<i64: 1>}]} {
    %eq3A = arith.constant 0 : i32
    %eq3A_0 = arith.cmpi eq, %arg0, %eq3A : i32
    %convert_element_type3A = arith.extui %eq3A_0 : i1 to i32
    %cond3A = arith.constant 0 : i32
    %cond3A_1 = arith.cmpi ne, %convert_element_type3A, %cond3A : i32
    scf.if %cond3A_1 {
      %get3A_62 = arith.constant 0 : index
      %get3A_63 = arith.constant 0 : index
      %get3A_64 = vector.load %arg2[%get3A_62, %get3A_63] : memref<1024x64xf32, #tpu.memory_space<vmem>>, vector<1024x64xf32>
      %add3A_65 = arith.addf %get3A_64, %get3A_64 : vector<1024x64xf32>
      %swap3A_66 = arith.constant 0 : index
      %swap3A_67 = arith.constant 0 : index
      %swap3A_68 = vector.load %arg6[%swap3A_66, %swap3A_67] : memref<1024x64xf32, #tpu.memory_space<vmem>>, vector<1024x64xf32>
      tpu.vector_store %arg6[%swap3A_66, %swap3A_67], %add3A_65 {strides = array<i32>} : memref<1024x64xf32, #tpu.memory_space<vmem>>, vector<1024x64xf32>,
      %broadcast_in_dim3A_69 = arith.constant 1.000000e+00 : f32
      %broadcast_in_dim3A_70 = vector.broadcast %broadcast_in_dim3A_69 : f32 to vector<1x64xf32>
      %broadcast_in_dim3A_71 = arith.constant 1.000000e+00 : f32
      %broadcast_in_dim3A_72 = vector.broadcast %broadcast_in_dim3A_71 : f32 to vector<1x1024xf32>
      %mul3A_73 = arith.mulf %get3A_64, %get3A_64 : vector<1024x64xf32>
      %dot_general3A_74 = arith.constant dense<0.000000e+00> : vector<1x1024xf32>
      %dot_general3A_75 = tpu.matmul %broadcast_in_dim3A_70, %mul3A_73, %dot_general3A_74 {dimension_numbers = #tpu.dot_dimension_numbers<[1], [1], [0], [0], [0, 0, 1, 0], [], []>, transpose_lhs_hint = false} : vector<1x64xf32>, vector<1024x64xf32>, vector<1x1024xf32> -> vector<1x1024xf32>
      %swap3A_76 = arith.constant 0 : index
      %swap3A_77 = arith.constant 0 : index
      %swap3A_78 = vector.load %arg7[%swap3A_76, %swap3A_77] : memref<1x1024xf32, #tpu.memory_space<vmem>>, vector<1x1024xf32>
      tpu.vector_store %arg7[%swap3A_76, %swap3A_77], %dot_general3A_75 {strides = array<i32>} : memref<1x1024xf32, #tpu.memory_space<vmem>>, vector<1x1024xf32>,
      %dot_general3A_79 = arith.constant dense<0.000000e+00> : vector<1x64xf32>
      %dot_general3A_80 = tpu.matmul %broadcast_in_dim3A_72, %get3A_64, %dot_general3A_79 {dimension_numbers = #tpu.dot_dimension_numbers<[1], [0], [0], [1], [0, 0, 1, 1], [], []>, transpose_lhs_hint = false} : vector<1x1024xf32>, vector<1024x64xf32>, vector<1x64xf32> -> vector<1x64xf32>
      %mul3A_81 = arith.constant 5.000000e-01 : f32
      %mul3A_82 = vector.broadcast %mul3A_81 : f32 to vector<1x64xf32>
      %mul3A_83 = arith.mulf %mul3A_82, %dot_general3A_80 : vector<1x64xf32>
      %swap3A_84 = arith.constant 0 : index
      %swap3A_85 = arith.constant 0 : index
      %swap3A_86 = vector.load %arg8[%swap3A_84, %swap3A_85] : memref<1x64xf32, #tpu.memory_space<vmem>>, vector<1x64xf32>
      tpu.vector_store %arg8[%swap3A_84, %swap3A_85], %mul3A_83 {strides = array<i32>} : memref<1x64xf32, #tpu.memory_space<vmem>>, vector<1x64xf32>,
    } else {
    }
    %get3A = arith.constant 0 : index
    %get3A_2 = arith.constant 0 : index
    %get3A_3 = arith.constant 0 : index
    %get3A_4 = vector.load %arg1[%get3A, %get3A_2, %get3A_3] : memref<4x1024x64xf32, #tpu.memory_space<vmem>>, vector<4x1024x64xf32>
    %reshape3A = vector.shape_cast %get3A_4 : vector<4x1024x64xf32> to vector<4096x64xf32>
    %get3A_5 = arith.constant 0 : index
    %get3A_6 = arith.constant 0 : index
    %get3A_7 = vector.load %arg6[%get3A_5, %get3A_6] : memref<1024x64xf32, #tpu.memory_space<vmem>>, vector<1024x64xf32>
    %dot_general3A = arith.constant dense<0.000000e+00> : vector<4096x1024xf32>
    %dot_general3A_8 = tpu.matmul %reshape3A, %get3A_7, %dot_general3A {dimension_numbers = #tpu.dot_dimension_numbers<[1], [1], [0], [0], [0, 0, 1, 0], [], []>, transpose_lhs_hint = false} : vector<4096x64xf32>, vector<1024x64xf32>, vector<4096x1024xf32> -> vector<4096x1024xf32>
    %get3A_9 = arith.constant 0 : index
    %get3A_10 = arith.constant 0 : index
    %get3A_11 = vector.load %arg7[%get3A_9, %get3A_10] : memref<1x1024xf32, #tpu.memory_space<vmem>>, vector<1x1024xf32>
    %sub3A = vector.broadcast %get3A_11 : vector<1x1024xf32> to vector<4096x1024xf32>
    %sub3A_12 = arith.subf %dot_general3A_8, %sub3A : vector<4096x1024xf32>
    %reduce_max3A = arith.constant dense<0xFF800000> : vector<4096xf32>
    %reduce_max3A_13 = vector.multi_reduction <maximumf>, %sub3A_12, %reduce_max3A [1] : vector<4096x1024xf32> to vector<4096xf32>
    %broadcast_in_dim3A = vector.shape_cast %reduce_max3A_13 : vector<4096xf32> to vector<4096x1xf32>
    %iota3A = tpu.iota {dimensions = array<i32: 1>} : vector<4096x1024xi32>
    %eq3A_14 = vector.broadcast %broadcast_in_dim3A : vector<4096x1xf32> to vector<4096x1024xf32>
    %eq3A_15 = arith.cmpf oeq, %sub3A_12, %eq3A_14 : vector<4096x1024xf32>
    %jit3A = arith.constant 1024 : i32
    %broadcast_in_dim3A_16 = vector.broadcast %jit3A : i32 to vector<4096x1024xi32>
    %select_n3A = arith.select %eq3A_15, %iota3A, %broadcast_in_dim3A_16 : vector<4096x1024xi1>, vector<4096x1024xi32>
    %reduce_min3A = arith.constant dense<2147483647> : vector<4096xi32>
    %reduce_min3A_17 = vector.multi_reduction <minsi>, %select_n3A, %reduce_min3A [1] : vector<4096x1024xi32> to vector<4096xi32>
    %broadcast_in_dim3A_18 = vector.shape_cast %reduce_min3A_17 : vector<4096xi32> to vector<4096x1xi32>
    %swap3A = arith.constant 0 : index
    %swap3A_19 = arith.constant 0 : index
    %swap3A_20 = vector.load %arg4[%swap3A, %swap3A_19] : memref<4096x1xi32, #tpu.memory_space<vmem>>, vector<4096x1xi32>
    tpu.vector_store %arg4[%swap3A, %swap3A_19], %broadcast_in_dim3A_18 {strides = array<i32>} : memref<4096x1xi32, #tpu.memory_space<vmem>>, vector<4096x1xi32>,
    %exp3A = math.exp %sub3A_12 : vector<4096x1024xf32>
    %broadcast_in_dim3A_21 = arith.constant 1.000000e+00 : f32
    %broadcast_in_dim3A_22 = vector.broadcast %broadcast_in_dim3A_21 : f32 to vector<1024x1xf32>
    %dot_general3A_23 = arith.constant dense<0.000000e+00> : vector<4096x1xf32>
    %dot_general3A_24 = tpu.matmul %exp3A, %broadcast_in_dim3A_22, %dot_general3A_23 {dimension_numbers = #tpu.dot_dimension_numbers<[1], [0], [0], [1], [0, 0, 1, 1], [], []>, transpose_lhs_hint = false} : vector<4096x1024xf32>, vector<1024x1xf32>, vector<4096x1xf32> -> vector<4096x1xf32>
    %log3A = math.log %dot_general3A_24 : vector<4096x1xf32>
    %dot_general3A_25 = arith.constant dense<0.000000e+00> : vector<4096x64xf32>
    %dot_general3A_26 = tpu.matmul %sub3A_12, %get3A_7, %dot_general3A_25 {dimension_numbers = #tpu.dot_dimension_numbers<[1], [0], [0], [1], [0, 0, 1, 1], [], []>, transpose_lhs_hint = false} : vector<4096x1024xf32>, vector<1024x64xf32>, vector<4096x64xf32> -> vector<4096x64xf32>
    %get3A_27 = arith.constant 0 : index
    %get3A_28 = arith.constant 0 : index
    %get3A_29 = vector.load %arg8[%get3A_27, %get3A_28] : memref<1x64xf32, #tpu.memory_space<vmem>>, vector<1x64xf32>
    %dot_general3A_30 = arith.constant dense<0.000000e+00> : vector<4096x64xf32>
    %dot_general3A_31 = tpu.matmul %log3A, %get3A_29, %dot_general3A_30 {dimension_numbers = #tpu.dot_dimension_numbers<[1], [0], [0], [1], [0, 0, 1, 1], [], []>, transpose_lhs_hint = false} : vector<4096x1xf32>, vector<1x64xf32>, vector<4096x64xf32> -> vector<4096x64xf32>
    %mul3A = arith.constant 2.500000e-01 : f32
    %mul3A_32 = vector.broadcast %mul3A : f32 to vector<4096x64xf32>
    %mul3A_33 = arith.mulf %mul3A_32, %dot_general3A_26 : vector<4096x64xf32>
    %sub3A_34 = arith.subf %mul3A_33, %dot_general3A_31 : vector<4096x64xf32>
    %reshape3A_35 = vector.shape_cast %sub3A_34 : vector<4096x64xf32> to vector<4x1024x64xf32>
    %swap3A_36 = arith.constant 0 : index
    %swap3A_37 = arith.constant 0 : index
    %swap3A_38 = arith.constant 0 : index
    %swap3A_39 = vector.load %arg3[%swap3A_36, %swap3A_37, %swap3A_38] : memref<4x1024x64xf32, #tpu.memory_space<vmem>>, vector<4x1024x64xf32>
    tpu.vector_store %arg3[%swap3A_36, %swap3A_37, %swap3A_38], %reshape3A_35 {strides = array<i32>} : memref<4x1024x64xf32, #tpu.memory_space<vmem>>, vector<4x1024x64xf32>,
    %mul3A_40 = arith.mulf %reshape3A, %reshape3A : vector<4096x64xf32>
    %reduce_sum3A = arith.constant dense<0.000000e+00> : vector<4096xf32>
    %reduce_sum3A_41 = vector.multi_reduction <add>, %mul3A_40, %reduce_sum3A [1] : vector<4096x64xf32> to vector<4096xf32>
    %broadcast_in_dim3A_42 = vector.shape_cast %reduce_sum3A_41 : vector<4096xf32> to vector<4096x1xf32>
    %sub3A_43 = arith.subf %broadcast_in_dim3A_42, %broadcast_in_dim3A : vector<4096x1xf32>
    %reduce_sum3A_44 = vector.shape_cast %sub3A_43 : vector<4096x1xf32> to vector<1x4096x1xf32>
    %reduce_sum3A_45 = arith.constant dense<0.000000e+00> : vector<1xf32>
    %reduce_sum3A_46 = vector.multi_reduction <add>, %reduce_sum3A_44, %reduce_sum3A_45 [1, 2] : vector<1x4096x1xf32> to vector<1xf32>
    %reduce_sum3A_47 = vector.shape_cast %reduce_sum3A_46 : vector<1xf32> to vector<1x1x1xf32>
    %reduce_sum3A_48 = vector.extract %reduce_sum3A_47[0, 0, 0] : f32 from vector<1x1x1xf32>
    %eq3A_49 = arith.constant 0 : i32
    %eq3A_50 = arith.cmpi eq, %arg0, %eq3A_49 : i32
    %get3A_51 = arith.constant 0 : index
    %get3A_52 = memref.load %arg5[%get3A_51] : memref<1xf32, #tpu.memory_space<smem>>
    %jit3A_53 = arith.constant 0.000000e+00 : f32
    %select_n3A_54 = arith.select %eq3A_50, %jit3A_53, %get3A_52 : f32
    %add3A = arith.addf %select_n3A_54, %reduce_sum3A_48 : f32
    %eq3A_55 = arith.constant 3 : i32
    %eq3A_56 = arith.cmpi eq, %arg0, %eq3A_55 : i32
    %mul3A_57 = arith.constant 1.1920929E-6 : f32
    %mul3A_58 = arith.mulf %add3A, %mul3A_57 : f32
    %select_n3A_59 = arith.select %eq3A_56, %mul3A_58, %add3A : f32
    %swap3A_60 = arith.constant 0 : index
    %swap3A_61 = memref.load %arg5[%swap3A_60] : memref<1xf32, #tpu.memory_space<smem>>
    memref.store %select_n3A_59, %arg5[%swap3A_60] : memref<1xf32, #tpu.memory_space<smem>>
    return
  }
  func.func @transform_0(%arg0: i32) -> (i32, i32, i32) {
    %c0_i32 = arith.constant 0 : i32
    %c0_i32_0 = arith.constant 0 : i32
    %c0_i32_1 = arith.constant 0 : i32
    return %arg0, %c0_i32, %c0_i32_0 : i32, i32, i32
  }
  func.func @transform_1(%arg0: i32) -> (i32, i32) {
    %c0_i32 = arith.constant 0 : i32
    %c0_i32_0 = arith.constant 0 : i32
    %c0_i32_1 = arith.constant 0 : i32
    return %c0_i32, %c0_i32_0 : i32, i32
  }
  func.func @transform_2(%arg0: i32) -> (i32, i32, i32) {
    %c0_i32 = arith.constant 0 : i32
    %c0_i32_0 = arith.constant 0 : i32
    %c0_i32_1 = arith.constant 0 : i32
    return %arg0, %c0_i32, %c0_i32_0 : i32, i32, i32
  }
  func.func @transform_3(%arg0: i32) -> (i32, i32) {
    %c0_i32 = arith.constant 0 : i32
    %c0_i32_0 = arith.constant 0 : i32
    return %arg0, %c0_i32 : i32, i32
  }
  func.func @transform_4(%arg0: i32) -> i32 {
    %c0_i32 = arith.constant 0 : i32
    %c0_i32_0 = arith.constant 0 : i32
    return %c0_i32 : i32
  }
}

</mosaic_0001>

<sc_bundles>
// kernel: kernel.4.cloned.1.call-start
scs
__scs_entry_jumppad:
0x0: {  	(pc) =	sbr.rel $0x88, $3  }
0x1: {  	(tag) =	ssettag $0x0;
	lr =	simm.s32 $0x1  }
0x2: {  	[smem:$0x3F9F] =	sst lr;
	_ =	strace $0xD0000000  }
0x3: {  	_ = 	snop  }
0x4: {  	_ = 	snop  }
0x5: {  	_ = 	snop  }
0x6: {  	_ = 	snop  }
0x7: {  	_ = 	snop  }
__scs_overlays_trampoline_lowered:
0x8: {  	[smem:$0x3FAE] =	sst s0  }
0x9: {  	[smem:$0x3FAF] =	sst s1  }
0xa: {  	[smem:$0x3FB0] =	sst s2  }
0xb: {  	[smem:$0x3FB1] =	sst s3  }
0xc: {  	[smem:$0x3FB2] =	sst s4  }
0xd: {  	[smem:$0x3FB3] =	sst s5  }
0xe: {  	[smem:$0x3FB4] =	sst s6  }
0xf: {  	[smem:$0x3FB5] =	sst s7  }
0x10: {  	[smem:$0x3FB6] =	sst s8  }
0x11: {  	[smem:$0x3FB7] =	sst s9;
	s0 =	simm.s32 @!p0 $0x0  }
0x12: {  	s1 =	sld [smem:$0x3F9D];
	s0 =	simm.s32 @p0 $0x1  }
0x13: {  	[smem:$0x3FB8] =	sst s0;
	s0 =	simm.s32 @!p1 $0x0  }
0x14: {  	s2 =	sld [smem:$0x3F9C];
	s0 =	simm.s32 @p1 $0x1  }
0x15: {  	[smem:$0x3FB9] =	sst s0;
	s0 =	simm.s32 @!p2 $0x0  }
0x16: {  	s3 =	sld [smem:$0x3FDB];
	s0 =	simm.s32 @p2 $0x1  }
0x17: {  	s4 =	simm.s32 $0x1BF5;
	[smem:$0x3FBB] =	sst s0  }
0x18: {  	s0 =	sld [smem:$0x3F9E];
	_ =	swait.ge [sflag:s4], $0x0  }
0x19: {  	s7 =	sld [smem:$0x3F9F]  }
0x1a: {  	s8 =	sadd.s32 $0xFFFFE003, lr  }
0x1b: {  	s9 =	sadd.s32 $0xFFFFFEF7, lr;
	s5 =	simm.s32 $0xFFFFFFFF;
	p2 =	slt.u32 s8, $0xFFFFF086  }
0x1c: {  	p1 =	slt.u32 s9, $0xF7A;
	s5 =	simm.s32 @!p2 $0x0  }
0x1d: {  	s5 =	simm.s32 @p1 $0x1;
	p0 =	seq.s32 s7, s2  }
0x1e: {  	s7 =	smul.u32 @!p0 $0xF7A, s2;
	p2 =	seq.s32 @!p0 s5, $0x0  }
0x1f: {  	s9 =	smul.u32 $0xF7A, s1;
	s8 =	simm.s32 @!p0 $0x1BF5;
	p2 =	por !p2, p0  }
0x20: {  	[sflag:s8] =	ssyncset.s32 @!p0 $0xFFFFF086;
	s6 =	sadd.s32 @!p0 s3, s7;
	s7 =	simm.s32 @!p0 $0x108  }
0x21: {  	s3 =	sadd.s32 s3, s9;
	s6 =	sadd.s32 @!p0 $0x88, s6;
	s7 =	simm.s32 @p2 $0x1082  }
0x22: {  	[simem:s7], [sflag:s8] =	dma.local @!p0 [hbm:s6], $0xF7A  }
0x23: {  	s9 =	sor.u32 $0xD0000000, s2;
	s6 =	simm.s32 $0x108;
	_ =	swait.ge @!p0 [sflag:s8], $0x0  }
0x24: {  	s3 =	sadd.s32 $0x88, s3;
	s6 =	simm.s32 @!p1 $0x1082;
	[sflag:s4] =	ssyncset.s32 $0xFFFFF086  }
0x25: {  	[simem:s6], [sflag:s4] =	dma.local [hbm:s3], $0xF7A  }
0x26: {  	[smem:$0x3F9F] =	sst s1;
	(tag) =	ssettag s2;
	_ =	strace s9  }
0x27: {  	s1 =	sld [smem:$0x3FAF]  }
0x28: {  	s2 =	sld [smem:$0x3FB0]  }
0x29: {  	s4 =	sld [smem:$0x3FB2]  }
0x2a: {  	p0 =	seq.s32 s5, $0x0;
	s5 =	sld [smem:$0x3FB3]  }
0x2b: {  	s6 =	sld [smem:$0x3FB4]  }
0x2c: {  	s7 =	sld [smem:$0x3FB5]  }
0x2d: {  	s3 =	simm.s32 $0x108;
	s8 =	sld [smem:$0x3FB6]  }
0x2e: {  	s3 =	simm.s32 @!p0 $0x1082;
	s9 =	sld [smem:$0x3FB7]  }
0x2f: {  	lr =	sadd.s32 s0, s3;
	s0 =	sld [smem:$0x3FAE]  }
0x30: {  	s3 =	sld [smem:$0x3FB1]  }
0x31: {  	[smem:$0x3FBA] =	sst s10  }
0x32: {  	s10 =	sld [smem:$0x3FB8];
	_ =	sdelay $0x3  }
0x33: {  	p0 =	seq.s32 s10, $0x1;
	s10 =	sld [smem:$0x3FBA];
	_ =	sdelay $0x3  }
0x34: {  	[smem:$0x3FBA] =	sst s10  }
0x35: {  	s10 =	sld [smem:$0x3FB9];
	_ =	sdelay $0x3  }
0x36: {  	p1 =	seq.s32 s10, $0x1;
	s10 =	sld [smem:$0x3FBA];
	_ =	sdelay $0x3  }
0x37: {  	[smem:$0x3FBA] =	sst s10  }
0x38: {  	s10 =	sld [smem:$0x3FBB]  }
0x39: {  	_ = 	snop;
	(pc) =	sbr.ind lr, $3  }
0x3a: {  	_ = 	snop  }
0x3b: {  	_ = 	snop  }
0x3c: {  	p2 =	seq.s32 s10, $0x1;
	s10 =	sld [smem:$0x3FBA]  }
0x3d: {  	_ =	shalt  }
0x3e: {  	_ =	shalt  }
0x3f: {  	_ =	shalt  }
0x40: {  	_ =	shalt  }
0x41: {  	_ =	shalt  }
0x42: {  	_ =	shalt  }
0x43: {  	_ =	shalt  }
0x44: {  	_ =	shalt  }
0x45: {  	_ =	shalt  }
0x46: {  	_ =	shalt  }
0x47: {  	_ =	shalt  }
0x48: {  	_ =	shalt  }
0x49: {  	_ =	shalt  }
0x4a: {  	_ =	shalt  }
0x4b: {  	_ =	shalt  }
0x4c: {  	_ =	shalt  }
0x4d: {  	_ =	shalt  }
0x4e: {  	_ =	shalt  }
0x4f: {  	_ =	shalt  }
0x50: {  	_ =	shalt  }
0x51: {  	_ =	shalt  }
0x52: {  	_ =	shalt  }
0x53: {  	_ =	shalt  }
0x54: {  	_ =	shalt  }
0x55: {  	_ =	shalt  }
0x56: {  	_ =	shalt  }
0x57: {  	_ =	shalt  }
0x58: {  	_ =	shalt  }
0x59: {  	_ =	shalt  }
0x5a: {  	_ =	shalt  }
0x5b: {  	_ =	shalt  }
0x5c: {  	_ =	shalt  }
0x5d: {  	_ =	shalt  }
0x5e: {  	_ =	shalt  }
0x5f: {  	_ =	shalt  }
0x60: {  	_ =	shalt  }
0x61: {  	_ =	shalt  }
0x62: {  	_ =	shalt  }
0x63: {  	_ =	shalt  }
0x64: {  	_ =	shalt  }
0x65: {  	_ =	shalt  }
0x66: {  	_ =	shalt  }
0x67: {  	_ =	shalt  }
0x68: {  	_ =	shalt  }
0x69: {  	_ =	shalt  }
0x6a: {  	_ =	shalt  }
0x6b: {  	_ =	shalt  }
0x6c: {  	_ =	shalt  }
0x6d: {  	_ =	shalt  }
0x6e: {  	_ =	shalt  }
0x6f: {  	_ =	shalt  }
0x70: {  	_ =	shalt  }
0x71: {  	_ =	shalt  }
0x72: {  	_ =	shalt  }
0x73: {  	_ =	shalt  }
0x74: {  	_ =	shalt  }
0x75: {  	_ =	shalt  }
0x76: {  	_ =	shalt  }
0x77: {  	_ =	shalt  }
0x78: {  	_ =	shalt  }
0x79: {  	_ =	shalt  }
0x7a: {  	_ =	shalt  }
0x7b: {  	_ =	shalt  }
0x7c: {  	_ =	shalt  }
0x7d: {  	_ =	shalt  }
0x7e: {  	_ =	shalt  }
0x7f: {  	_ =	shalt  }
0x80: {  	_ =	shalt  }
0x81: {  	_ =	shalt  }
0x82: {  	_ =	shalt  }
0x83: {  	_ =	shalt  }
0x84: {  	_ =	shalt  }
0x85: {  	_ =	shalt  }
0x86: {  	_ =	shalt  }
0x87: {  	_ =	shalt  }
.Lfunc_end0:
.L_simem_size_0:
called_computation_lowered:
.L_overlay_start_0:
0x88: {  	s2 =	sld [smem:$0x3FD9]  }
0x89: {  	s3 =	sld [smem:$0x3FFE];
	_ =	sdelay $0x1  }
0x8a: {  	s1 =	srdreg.scid  }
0x8b: {  	s0 =	sand.u32 $0x1, s1  }
0x8c: {  	s14 =	sshll.u32 s0, $0xA;
	s2 =	sadd.s32 s3, s2  }
0x8d: {  	s2 =	sadd.s32 s2, s14  }
0x8e: {  	[smem:$0x3FC6] =	sst s2  }
0x8f: {  	_ = 	snop  }
0x90: {  	s2 =	sld [smem:$0x3FD0];
	_ =	sdelay $0x2  }
0x91: {  	s15 =	simm.s32 $0xA;
	s4 =	simm.s32 $0x10  }
0x92: {  	[smem:s4], [sflag:s15] =	dma.local [hbm:s2], $0x1  }
0x93: {  	_ =	swait.eq [sflag:s15], $0x1  }
0x94: {  	[sflag:s15] =	ssyncset.done $0x0  }
0x95: {  	[sflag:s15] =	ssyncadd.s32 $0xFFFFFFFF  }
0x96: {  	s16 =	sld [smem:$0x10];
	(tm) =	ssettm $0x1  }
0x97: {  	s17 =	sld [smem:$0x3FFB];
	_ =	sdelay $0x3  }
0x98: {  	_ =	strace s17  }
0x99: {  	s3 =	sld [smem:$0x3FFC];
	_ =	sdelay $0x3  }
0x9a: {  	_ =	strace s3  }
0x9b: {  	s3 =	sld [smem:$0x3FFD];
	_ =	sdelay $0x3  }
0x9c: {  	_ =	strace s3  }
0x9d: {  	_ =	strace $0x8FFFFFFF  }
0x9e: {  	s18 =	sld [smem:$0x3FDB];
	_ =	sdelay $0x1  }
0x9f: {  	s19 =	simm.s32 $_scs_section_size  }
0xa0: {  	s5 =	simm.s32 $_size__tile_overlayer_lowered;
	s6 =	simm.s32 $_tile_overlayer_lowered  }
0xa1: {  	s22 =	simm.s32 $0x1BFF;
	s21 =	sshll.u32 s6, $0x1;
	s3 =	sadd.s32 s19, s18  }
0xa2: {  	s7 =	simm.s32 $0x0;
	s20 =	sshll.u32 s5, $0x1;
	s5 =	sadd.s32 s21, s3  }
0xa3: {  	[timem:s7], [sflag:s22] =	dma.local [hbm:s5], s20  }
0xa4: {  	_ =	swait.ge [sflag:s22], s20  }
0xa5: {  	s4 =	ssub.s32 $0x0, s20;
	[sflag:s22] =	ssyncset.done $0x0  }
0xa6: {  	[sflag:s22] =	ssyncadd.s32 s4;
	_ =	sdelay $0x1  }
0xa7: {  	s23 =	simm.s32 $0x1B8B  }
0xa8: {  	_ =	swait.ge [sflag:s23], $0x1  }
0xa9: {  	[sflag:s23] =	ssyncset.done $0x0  }
0xaa: {  	s25 =	simm.s32 $0x1B8E;
	s24 =	sld [smem:$0x3FFE];
	[sflag:s23] =	ssyncadd.s32 $0xFFFFFFFF  }
0xab: {  	s26 =	simm.s32 $execute0_lowered;
	[smem:$0x3FD2] =	sst s25  }
0xac: {  	s5 =	sshll.u32 s26, $0x1;
	_ =	strace $0x80000046;
	[dreg:$0x1] =	wrdreg $0xFFFFFFFF  }
0xad: {  	s28 =	simm.s32 $_size_execute0_lowered;
	s3 =	sadd.s32 s3, s5;
	[dreg:$0x0] =	wrdreg $0x0  }
0xae: {  	s5 =	sshll.u32 s28, $0x1;
	[dreg:$0x2] =	wrdreg s3  }
0xaf: {  	[dreg:$0x3] =	wrdreg s5  }
0xb0: {  	[dreg:$0x4] =	wrdreg $0xC0  }
0xb1: {  	_ =	task [dreg:s7], $0x5FFFF  }
0xb2: {  	[dreg:$0x1] =	wrdreg $0xFFFFFFFF  }
0xb3: {  	[dreg:$0x0] =	wrdreg $0x60  }
0xb4: {  	[dreg:$0x2] =	wrdreg s16  }
0xb5: {  	[dreg:$0x3] =	wrdreg s24  }
0xb6: {  	[dreg:$0x4] =	wrdreg $0x9  }
0xb7: {  	_ =	task.clear_ibuf [dreg:s7], $0x5FFFF;
	_ =	strace $0x90000046  }
0xb8: {  	s29 =	simm.s32 $0x9;
	_ =	strace $0x80000048  }
0xb9: {  	_ =	swait.ge [sflag:s29], $0x1  }
0xba: {  	[sflag:s29] =	ssyncadd.s32 $0xFFFFFFFF  }
0xbb: {  	_ =	strace $0x90000048  }
0xbc: {  	_ =	sfence  }
0xbd: {  	s30 =	sld [smem:$0x0];
	_ =	sdelay $0x2  }
0xbe: {  	s31 =	sshll.u32 s1, $0xD;
	s1 =	sshrl.u32 s1, $0x2  }
0xbf: {  	s3 =	sand.u32 $0x4000, s31;
	s1 =	sadd.s32 s1, s30  }
0xc0: {  	s0 =	sor.u32 s3, s0;
	s1 =	sshll.u32 s1, $0x11  }
0xc1: {  	s0 =	sor.u32 s1, s0  }
0xc2: {  	s0 =	sadd.s32 $0x8F2B, s0  }
0xc3: {  	[sflag:s0] =	ssyncadd.remote.s32 $0x1  }
0xc4: {  	_ =	sfence.sel $0xFFFF  }
0xc5: {  	[dreg:$0x0] =	wrdreg $0xFFFFFFFF;
	(pc) =	sbr.abs _section_cstart, $3  }
0xc6: {  	[dreg:$0x1] =	wrdreg $0xFFFFFFFF  }
0xc7: {  	_ =	task.clear_ibuf [dreg:s7], $0x2FFFF;
	_ =	strace $0x9FFFFFFF  }
0xc8: {  	(tm) =	ssettm $0x7FFFFFFF  }
0xc9: {  	_ =	shalt  }
tec
execute0_lowered:
.L_overlay_start_1:
0x0: {  	(tag) =	ssettag $0x1  }
0x1: {  	s1 =	srdreg.scid  }
0x2: {  	s2 =	rddreg [dreg:$0x0];
	s0 =	stileid.u32;
	s14 =	sand.u32 $0x1, s1  }
0x3: {  	s8 =	rddreg [dreg:$0x1];
	s4 =	sshll.u32 s0, $0xA;
	s5 =	sshll.u32 s14, $0x9  }
0x4: {  	s3 =	simm.s32 $0x0;
	s1 =	rddreg [dreg:$0x2];
	s13 =	sor.u32 s5, s4  }
0x5: {  	[smem:$0x7FF] =	sst s3;
	s15 =	sadd.s32 $0x200, s8;
	s4 =	sshrl.u32 s13, $0x3  }
0x6: {  	_ =	strace $0x80000047;
	s5 =	sadd.s32 s15, s4;
	s4 =	simm.s32 $0x2  }
0x7: {  	[tilespmem:s3], [sflag:$0x2] =	stream.linear.gather [hbm4b:s5+s3], $0x80, $0x38;
	[tilespmem:$0x4080] =	vst v63  }
0x8: {  	_ =	swait.ge [sflag:s4], $0x80  }
0x9: {  	[sflag:s4] =	ssyncset.done $0x0  }
0xa: {  	s6 =	simm.s32 $0x80;
	s7 =	simm.s32 $0x1;
	[sflag:s4] =	ssyncadd.s32 $0xFFFFFF80  }
0xb: {  	[tilespmem:s6], [sflag:$0x1] =	stream.indirect.gather [hbm4b:s2+s6], $0x80, s3, s6, $0xb8;
	[tilespmem:$0x4080] =	vst v63  }
0xc: {  	_ =	swait.ge [sflag:s7], $0x4000  }
0xd: {  	s16 =	sadd.s32 $0xA00, s8;
	s29 =	sshll.u32 s13, $0x4;
	[sflag:s7] =	ssyncset.done $0x0  }
0xe: {  	s8 =	sadd.s32 s16, s29;
	[sflag:s7] =	ssyncadd.s32 $0xFFFFC000  }
0xf: {  	[hbm4b:s8+s3] =	stream.linear.scatter [tilespmem:s6], [sflag:$0x2], $0x4000, $0x38;
	[tilespmem:$0x4080] =	vst v63  }
0x10: {  	s10 =	sor.u32 $0x80, s13;
	_ =	swait.ge [sflag:s4], $0x4000  }
0x11: {  	s9 =	sshrl.u32 s10, $0x3;
	[sflag:s4] =	ssyncset.done $0x0  }
0x12: {  	s9 =	sadd.s32 s15, s9;
	[sflag:s4] =	ssyncadd.s32 $0xFFFFC000  }
0x13: {  	[tilespmem:s3], [sflag:$0x2] =	stream.linear.gather [hbm4b:s9+s3], $0x80, $0x38;
	[tilespmem:$0x4080] =	vst v63  }
0x14: {  	_ =	swait.ge [sflag:s4], $0x80  }
0x15: {  	[sflag:s4] =	ssyncset.done $0x0  }
0x16: {  	[sflag:s4] =	ssyncadd.s32 $0xFFFFFF80  }
0x17: {  	[tilespmem:s6], [sflag:$0x1] =	stream.indirect.gather [hbm4b:s2+s6], $0x80, s3, s6, $0xb8;
	[tilespmem:$0x4080] =	vst v63  }
0x18: {  	_ =	swait.ge [sflag:s7], $0x4000  }
0x19: {  	s10 =	sshll.u32 s10, $0x4;
	[sflag:s7] =	ssyncset.done $0x0  }
0x1a: {  	s10 =	sadd.s32 s16, s10;
	[sflag:s7] =	ssyncadd.s32 $0xFFFFC000  }
0x1b: {  	[hbm4b:s10+s3] =	stream.linear.scatter [tilespmem:s6], [sflag:$0x2], $0x4000, $0x38;
	[tilespmem:$0x4080] =	vst v63  }
0x1c: {  	s12 =	sor.u32 $0x100, s13;
	_ =	swait.ge [sflag:s4], $0x4000  }
0x1d: {  	s11 =	sshrl.u32 s12, $0x3;
	[sflag:s4] =	ssyncset.done $0x0  }
0x1e: {  	s11 =	sadd.s32 s15, s11;
	[sflag:s4] =	ssyncadd.s32 $0xFFFFC000  }
0x1f: {  	[tilespmem:s3], [sflag:$0x2] =	stream.linear.gather [hbm4b:s11+s3], $0x80, $0x38;
	[tilespmem:$0x4080] =	vst v63  }
0x20: {  	_ =	swait.ge [sflag:s4], $0x80  }
0x21: {  	[sflag:s4] =	ssyncset.done $0x0  }
0x22: {  	[sflag:s4] =	ssyncadd.s32 $0xFFFFFF80  }
0x23: {  	[tilespmem:s6], [sflag:$0x1] =	stream.indirect.gather [hbm4b:s2+s6], $0x80, s3, s6, $0xb8;
	[tilespmem:$0x4080] =	vst v63  }
0x24: {  	_ =	swait.ge [sflag:s7], $0x4000  }
0x25: {  	s12 =	sshll.u32 s12, $0x4;
	[sflag:s7] =	ssyncset.done $0x0  }
0x26: {  	s12 =	sadd.s32 s16, s12;
	[sflag:s7] =	ssyncadd.s32 $0xFFFFC000  }
0x27: {  	[hbm4b:s12+s3] =	stream.linear.scatter [tilespmem:s6], [sflag:$0x2], $0x4000, $0x38;
	[tilespmem:$0x4080] =	vst v63  }
0x28: {  	s17 =	sor.u32 $0x180, s13;
	_ =	swait.ge [sflag:s4], $0x4000  }
0x29: {  	s13 =	sshrl.u32 s17, $0x3;
	[sflag:s4] =	ssyncset.done $0x0  }
0x2a: {  	s14 =	ssub.s32 $0x2, s14;
	s13 =	sadd.s32 s15, s13;
	[sflag:s4] =	ssyncadd.s32 $0xFFFFC000  }
0x2b: {  	[tilespmem:s3], [sflag:$0x2] =	stream.linear.gather [hbm4b:s13+s3], $0x80, $0x38;
	[tilespmem:$0x4080] =	vst v63  }
0x2c: {  	s30 =	sshrl.u32 s14, $0x1;
	_ =	swait.ge [sflag:s4], $0x80  }
0x2d: {  	s15 =	ssub.s32 s14, s30;
	[sflag:s4] =	ssyncset.done $0x0  }
0x2e: {  	s15 =	smax.u32 s15, $0x1;
	[sflag:s4] =	ssyncadd.s32 $0xFFFFFF80  }
0x2f: {  	[tilespmem:s6], [sflag:$0x1] =	stream.indirect.gather [hbm4b:s2+s6], $0x80, s3, s6, $0xb8;
	[tilespmem:$0x4080] =	vst v63  }
0x30: {  	p0 =	sne.s32 s15, $0x1;
	_ =	swait.ge [sflag:s7], $0x4000  }
.Ltmp0:
0x31: {  	s31 =	sshll.u32 s17, $0x4;
	[sflag:s7] =	ssyncset.done $0x0;
	(pc) =	sbr.rel @!p0 .LBB2_2-.Ltmp0, $4  }
0x32: {  	s14 =	sadd.s32 s16, s31;
	[sflag:s7] =	ssyncadd.s32 $0xFFFFC000  }
0x33: {  	[hbm4b:s14+s3] =	stream.linear.scatter [tilespmem:s6], [sflag:$0x2], $0x4000, $0x38;
	[tilespmem:$0x4080] =	vst v63  }
0x34: {  	_ =	swait.ge [sflag:s4], $0x4000  }
0x35: {  	s15 =	sadd.s32 $0xFFFFFFFF, s15;
	[sflag:s4] =	ssyncset.done $0x0  }
.LBB2_1:
0x36: {  	p0 =	sne.s32 s15, $0x1;
	s15 =	sadd.s32 $0xFFFFFFFF, s15;
	[sflag:s4] =	ssyncadd.s32 $0xFFFFC000  }
0x37: {  	[tilespmem:s3], [sflag:$0x2] =	stream.linear.gather [hbm4b:s5+s3], $0x80, $0x38;
	[tilespmem:$0x4080] =	vst v63  }
0x38: {  	_ =	swait.ge [sflag:s4], $0x80  }
0x39: {  	[sflag:s4] =	ssyncset.done $0x0  }
0x3a: {  	[sflag:s4] =	ssyncadd.s32 $0xFFFFFF80  }
0x3b: {  	[tilespmem:s6], [sflag:$0x1] =	stream.indirect.gather [hbm4b:s2+s6], $0x80, s3, s6, $0xb8;
	[tilespmem:$0x4080] =	vst v63  }
0x3c: {  	_ =	swait.ge [sflag:s7], $0x4000  }
0x3d: {  	[sflag:s7] =	ssyncset.done $0x0  }
0x3e: {  	[sflag:s7] =	ssyncadd.s32 $0xFFFFC000  }
0x3f: {  	[hbm4b:s8+s3] =	stream.linear.scatter [tilespmem:s6], [sflag:$0x2], $0x4000, $0x38;
	[tilespmem:$0x4080] =	vst v63  }
0x40: {  	_ =	swait.ge [sflag:s4], $0x4000  }
0x41: {  	[sflag:s4] =	ssyncset.done $0x0  }
0x42: {  	[sflag:s4] =	ssyncadd.s32 $0xFFFFC000  }
0x43: {  	[tilespmem:s3], [sflag:$0x2] =	stream.linear.gather [hbm4b:s9+s3], $0x80, $0x38;
	[tilespmem:$0x4080] =	vst v63  }
0x44: {  	_ =	swait.ge [sflag:s4], $0x80  }
0x45: {  	[sflag:s4] =	ssyncset.done $0x0  }
0x46: {  	[sflag:s4] =	ssyncadd.s32 $0xFFFFFF80  }
0x47: {  	[tilespmem:s6], [sflag:$0x1] =	stream.indirect.gather [hbm4b:s2+s6], $0x80, s3, s6, $0xb8;
	[tilespmem:$0x4080] =	vst v63  }
0x48: {  	_ =	swait.ge [sflag:s7], $0x4000  }
0x49: {  	[sflag:s7] =	ssyncset.done $0x0  }
0x4a: {  	[sflag:s7] =	ssyncadd.s32 $0xFFFFC000  }
0x4b: {  	[hbm4b:s10+s3] =	stream.linear.scatter [tilespmem:s6], [sflag:$0x2], $0x4000, $0x38;
	[tilespmem:$0x4080] =	vst v63  }
0x4c: {  	_ =	swait.ge [sflag:s4], $0x4000  }
0x4d: {  	[sflag:s4] =	ssyncset.done $0x0  }
0x4e: {  	[sflag:s4] =	ssyncadd.s32 $0xFFFFC000  }
0x4f: {  	[tilespmem:s3], [sflag:$0x2] =	stream.linear.gather [hbm4b:s11+s3], $0x80, $0x38;
	[tilespmem:$0x4080] =	vst v63  }
0x50: {  	_ =	swait.ge [sflag:s4], $0x80  }
0x51: {  	[sflag:s4] =	ssyncset.done $0x0  }
0x52: {  	[sflag:s4] =	ssyncadd.s32 $0xFFFFFF80  }
0x53: {  	[tilespmem:s6], [sflag:$0x1] =	stream.indirect.gather [hbm4b:s2+s6], $0x80, s3, s6, $0xb8;
	[tilespmem:$0x4080] =	vst v63  }
0x54: {  	_ =	swait.ge [sflag:s7], $0x4000  }
0x55: {  	[sflag:s7] =	ssyncset.done $0x0  }
0x56: {  	[sflag:s7] =	ssyncadd.s32 $0xFFFFC000  }
0x57: {  	[hbm4b:s12+s3] =	stream.linear.scatter [tilespmem:s6], [sflag:$0x2], $0x4000, $0x38;
	[tilespmem:$0x4080] =	vst v63  }
0x58: {  	_ =	swait.ge [sflag:s4], $0x4000  }
0x59: {  	[sflag:s4] =	ssyncset.done $0x0  }
0x5a: {  	[sflag:s4] =	ssyncadd.s32 $0xFFFFC000  }
0x5b: {  	[tilespmem:s3], [sflag:$0x2] =	stream.linear.gather [hbm4b:s13+s3], $0x80, $0x38;
	[tilespmem:$0x4080] =	vst v63  }
0x5c: {  	_ =	swait.ge [sflag:s4], $0x80  }
0x5d: {  	[sflag:s4] =	ssyncset.done $0x0  }
0x5e: {  	[sflag:s4] =	ssyncadd.s32 $0xFFFFFF80  }
0x5f: {  	[tilespmem:s6], [sflag:$0x1] =	stream.indirect.gather [hbm4b:s2+s6], $0x80, s3, s6, $0xb8;
	[tilespmem:$0x4080] =	vst v63  }
0x60: {  	_ =	swait.ge [sflag:s7], $0x4000  }
.Ltmp1:
0x61: {  	[sflag:s7] =	ssyncset.done $0x0;
	(pc) =	sbr.rel @p0 .LBB2_1-.Ltmp1, $4  }
0x62: {  	[sflag:s7] =	ssyncadd.s32 $0xFFFFC000  }
0x63: {  	[hbm4b:s14+s3] =	stream.linear.scatter [tilespmem:s6], [sflag:$0x2], $0x4000, $0x38;
	[tilespmem:$0x4080] =	vst v63  }
0x64: {  	_ =	swait.ge [sflag:s4], $0x4000  }
0x65: {  	[sflag:s4] =	ssyncset.done $0x0  }
.LBB2_2:
0x66: {  	[sflag:s4] =	ssyncadd.s32 $0xFFFFC000  }
0x67: {  	_ =	sfence.sel $0x180000  }
0x68: {  	[bflag:$0x0] =	sbarrier.arrive $0xFFFF  }
0x69: {  	p0 =	sne.s32 s0, $0x0;
	_ =	strace $0x90000047  }
0x6a: {  	s0 =	sadd.s32 @!p0 $0x100000, s1;
	[bflag:$0x2] =	sbarrier.arrive $0xFFFF  }
0x6b: {  	[sflag:s0] =	ssyncadd.tile.s32 @!p0 $0x1;
	_ =	shalt  }
.Lfunc_end2:
_tile_overlayer_lowered:
.L_overlay_start_2:
0x6c: {  	(tag) =	ssettag $0x2  }
0x6d: {  	s0 =	rddreg [dreg:$0x0];
	s2 =	stileid.u32  }
0x6e: {  	s1 =	rddreg [dreg:$0x1];
	p0 =	sne.s32 s2, $0x0  }
0x6f: {  	s3 =	rddreg [dreg:$0x2];
	[bflag:$0x3] =	sbarrier.arrive $0xFFFF;
	s2 =	simm.s32 @!p0 $0x1C02  }
0x70: {  	[timem:s3], [sflag:s2] =	dma.local @!p0 [hbm:s0], s1  }
0x71: {  	s0 =	simm.s32 @!p0 $0x2  }
0x72: {  	_ =	swait.ge @!p0 [sflag:s0], s1  }
0x73: {  	s1 =	ssub.s32 @!p0 $0x0, s1;
	[sflag:s0] =	ssyncset.done @!p0 $0x0  }
0x74: {  	[sflag:s0] =	ssyncadd.s32 @!p0 s1  }
0x75: {  	[bflag:$0x3] =	sbarrier.arrive $0xFFFF  }
0x76: {  	_ =	shalt  }

</sc_bundles>
